<compile_context>
chip_gen: v7x
topology: tpu7x:2x2x1
jax: 0.10.2.dev20260603
libtpu: 0.0.44.dev20260713+nightly
codegen_flags: <defaults>
</compile_context>

<pallas_src>
import functools

import numpy as np

import jax
import jax.numpy as jnp
from jax import lax
from jax.experimental import pallas as pl
from jax.experimental.pallas import tpu as pltpu
from jax.experimental.pallas import tpu_sc as plsc

NC = 2
NS = 16
LANES = 16
CHUNK = 128
NBUF = 2


def _chunking(e):
    for c in (128,):
        if e % (NC * NS * c) == 0 and (e // (NC * NS * c)) % NBUF == 0:
            return c, e // (NC * NS * c), 0
    g = 8 * NBUF // __import__("math").gcd(8, NBUF)
    tot = -(-e // (NC * NS * 128))
    tot = -(-tot // g) * g
    return 128, tot, NC * NS * tot * 128 - e


def _sc_scatter_partials(x, src_p, dst_p, n, d, cpr, chunk):
    rows_per_tile = -(-n // (NS * 8)) * 8
    n_pad = rows_per_tile * NS

    mesh = plsc.VectorSubcoreMesh(core_axis_name="c", subcore_axis_name="s")

    @functools.partial(
        pl.kernel,
        out_type=(jax.ShapeDtypeStruct((n_pad, d), jnp.float32),
                  jax.ShapeDtypeStruct((n_pad, d), jnp.float32)),
        mesh=mesh,
        scratch_types=[
            pltpu.VMEM((cpr, chunk), jnp.int32),
            pltpu.VMEM((cpr, chunk), jnp.int32),
            *[pltpu.VMEM((chunk, d), jnp.float32) for _ in range(NBUF)],
            pltpu.VMEM_SHARED((n_pad, d), jnp.float32),
            *[pltpu.SemaphoreType.DMA for _ in range(NBUF)],
        ],
    )
    def scatter_kernel(x_hbm, src_hbm, dst_hbm, out0_hbm, out1_hbm,
                       sidx, didx, *rest):
        rows = rest[:NBUF]
        acc = rest[NBUF]
        sems = rest[NBUF + 1:]
        cid = lax.axis_index("c")
        sid = lax.axis_index("s")

        w = cid * NS + sid
        pltpu.async_copy(src_hbm.at[w], sidx, sems[0])
        pltpu.async_copy(dst_hbm.at[w], didx, sems[1])

        zbuf = rows[0]
        def zero_body(t, _):
            zbuf[t // (d // LANES),
                 pl.ds((t % (d // LANES)) * LANES, LANES)] = (
                jnp.zeros((LANES,), jnp.float32))
            return 0
        zc = (chunk // 8) * 8
        lax.fori_loop(0, chunk * (d // LANES), zero_body, 0)
        r0 = sid * rows_per_tile
        full = rows_per_tile // zc
        for k in range(full):
            pltpu.sync_copy(zbuf.at[pl.ds(0, zc)],
                            acc.at[pl.ds(r0 + k * zc, zc)])
        rem = rows_per_tile - full * zc
        if rem:
            pltpu.sync_copy(zbuf.at[pl.ds(0, rem)],
                            acc.at[pl.ds(r0 + full * zc, rem)])
        pltpu.make_async_copy(src_hbm.at[w], sidx, sems[0]).wait()
        pltpu.make_async_copy(dst_hbm.at[w], didx, sems[1]).wait()
        plsc.subcore_barrier()

        for b in range(NBUF):
            pltpu.async_copy(x_hbm.at[sidx.at[b]], rows[b], sems[b])

        def pipe_body(jj, _):
            for b in range(NBUF):
                c = NBUF * jj + b
                pltpu.make_async_copy(
                    x_hbm.at[sidx.at[c]], rows[b], sems[b]).wait()
                pltpu.sync_copy(rows[b], acc.at[didx.at[c]], add=True)

                @pl.when(c + NBUF < cpr)
                def _prefetch():
                    pltpu.async_copy(x_hbm.at[sidx.at[c + NBUF]],
                                     rows[b], sems[b])
            return 0
        lax.fori_loop(0, cpr // NBUF, pipe_body, 0)
        plsc.subcore_barrier()

        @pl.when(cid == 0)
        def _out0():
            pltpu.sync_copy(acc.at[pl.ds(r0, rows_per_tile)],
                            out0_hbm.at[pl.ds(r0, rows_per_tile)])

        @pl.when(cid == 1)
        def _out1():
            pltpu.sync_copy(acc.at[pl.ds(r0, rows_per_tile)],
                            out1_hbm.at[pl.ds(r0, rows_per_tile)])

    return scatter_kernel(x, src_p, dst_p), n_pad


def _combine(x, p0, p1, n, d, scale):
    block = 2000

    def body(x_ref, a_ref, b_ref, o_ref):
        o_ref[...] = jnp.maximum(
            (x_ref[...] + a_ref[...] + b_ref[...]) * scale, 0.0)

    spec = pl.BlockSpec((block, d), lambda i: (i, 0))
    return pl.pallas_call(
        body,
        grid=(n // block,),
        in_specs=[spec, spec, spec],
        out_specs=spec,
        out_shape=jax.ShapeDtypeStruct((n, d), jnp.float32),
    )(x, p0, p1)


def kernel(x, edge_index, edge_weights, W_w, b_w, att):
    n, d = x.shape
    e = edge_index.shape[1]
    out_dim = att.shape[1]

    rows_per_tile = -(-n // (NS * 8)) * 8
    n_pad = rows_per_tile * NS
    chunk, cpr, pad = _chunking(e)

    if pad:
        spare = max(n_pad - n, 1)
        pad_src = jnp.asarray(np.arange(pad) % n, dtype=jnp.int32)
        pad_dst = jnp.asarray(n + (np.arange(pad) % spare),
                              dtype=jnp.int32)
        src_flat = jnp.concatenate([edge_index[0], pad_src])
        dst_flat = jnp.concatenate([edge_index[1], pad_dst])
    else:
        src_flat = edge_index[0]
        dst_flat = edge_index[1]
    src_p = src_flat.reshape(NC * NS, cpr, chunk)
    dst_p = dst_flat.reshape(NC * NS, cpr, chunk)

    (p0, p1), n_pad = _sc_scatter_partials(x, src_p, dst_p, n, d, cpr,
                                           chunk)
    return _combine(x, p0, p1, n, d, 1.0 / out_dim)

# --- scband reference (transcript-rebuilt; emitter-appended) ---
"""Pipeline reference for scband-gat-16587163697725 (READ-ONLY COPY).

The authoritative reference and input builder live on the scoring server;
editing this copy changes nothing except your own understanding.
"""

import jax, jax.numpy as jnp
import numpy as np

N = 10000
E = 160000
D = 128
DE = 4
HEADS = 1
OUT = 8


def setup_inputs(seed: int = 0):
    key = jax.random.key(seed)
    k1, k2, k3, k4, k5, k6 = jax.random.split(key, 6)
    x = jax.random.normal(k1, (N, D), dtype=jnp.float32)
    src = jax.random.randint(k2, (E,), 0, N, dtype=jnp.int32)
    off = jax.random.randint(k3, (E,), 1, N, dtype=jnp.int32)
    dst = (src + off) % N  # guarantees no pre-existing self-loops
    edge_index = jnp.stack([src, dst])
    edge_weights = jax.random.uniform(k4, (E, DE), dtype=jnp.float32)
    # nn.Linear(2*D, OUT*HEADS) weight, xavier_normal init
    W_w = jax.random.normal(k5, (OUT * HEADS, 2 * D), dtype=jnp.float32) * np.sqrt(2.0 / (2 * D + OUT * HEADS))
    b_w = jnp.zeros((OUT * HEADS,), dtype=jnp.float32)
    # att parameter [heads, out_dim, 1], xavier_uniform init
    limit = np.sqrt(6.0 / (OUT + 1))
    att = jax.random.uniform(k6, (HEADS, OUT, 1), dtype=jnp.float32, minval=-limit, maxval=limit)
    return {"x": x, "edge_index": edge_index, "edge_weights": edge_weights, "W_w": W_w, "b_w": b_w, "att": att}


def _gat_layer(x, edge_weights, W_w, b_w, att, edge_index):
    n = x.shape[0]
    in_dim = x.shape[1]
    heads = att.shape[0]
    out_dim = att.shape[1]
    # add_remaining_self_loops(fill_value=1): edges have no self-loops by construction,
    # so this is exactly: append one self-loop per node with edge_attr = 1
    loop = jnp.arange(n, dtype=edge_index.dtype)
    ei = jnp.concatenate([edge_index, jnp.stack([loop, loop])], axis=1)
    ea = jnp.concatenate([edge_weights, jnp.ones((n, edge_weights.shape[1]), dtype=edge_weights.dtype)], axis=0)
    src = ei[0]
    dst = ei[1]
    # PyG source_to_target: x_j = x[src], x_i = x[dst], aggregate by dst
    x_j = jnp.take(x, src, axis=0)
    x_i = jnp.take(x, dst, axis=0)
    # torch.cat((edge_attr[:, 0].unsqueeze(1),) * in_dim, dim=1)
    eattr = jnp.repeat(ea[:, 0:1], in_dim, axis=1)
    xi = x_i + eattr
    xj = x_j + eattr
    e = jnp.concatenate([xi, xj], axis=1)
    h = e @ W_w.T + b_w
    h = jax.nn.leaky_relu(h, negative_slope=0.01)
    ep = h.shape[0]
    # faithful row-major reshape [ep, heads*out_dim] -> [heads, out_dim, ep], then squeeze (heads=1)
    hr = jnp.squeeze(h.reshape(heads, out_dim, ep))  # [out_dim, ep]
    alpha = hr * att  # broadcast -> [1, out_dim, ep]
    alpha = jax.nn.softmax(alpha, axis=1)
    msg = x_j * alpha[..., None]  # [1, out_dim, ep, in_dim]
    # MessagePassing aggr='add' over node_dim=-2 indexed by dst
    agg = jnp.zeros((heads, out_dim, n, in_dim), dtype=msg.dtype).at[:, :, dst, :].add(msg)
    out = agg.mean(axis=0).mean(axis=0)  # [n, in_dim]
    return out


def reference(x, edge_index, edge_weights, W_w, b_w, att):
    out = _gat_layer(x, edge_weights, W_w, b_w, att, edge_index)
    out = jax.nn.relu(out)  # nn.ReLU() after the single GAT layer
    return out

if __name__ == "__main__":
    import jax
    _d = setup_inputs()
    print(jax.jit(kernel)(*tuple(_d.values())))

</pallas_src>

<mosaic_0001>
#map = affine_map<(d0, d1) -> (0, 0)>
#map1 = affine_map<(d0, d1) -> (0, 0, 0)>
module attributes {stable_mosaic.version = 14 : i64} {
  func.func @scatter_kernel(%arg0: i32, %arg1: i32, %arg2: memref<10000x128xf32, #tpu.memory_space<hbm>>, %arg3: memref<32x40x128xi32, #tpu.memory_space<hbm>>, %arg4: memref<32x40x128xi32, #tpu.memory_space<hbm>>, %arg5: memref<10112x128xf32, #tpu.memory_space<hbm>>, %arg6: memref<10112x128xf32, #tpu.memory_space<hbm>>, %arg7: memref<40x128xi32, #tpu.memory_space<vmem>>, %arg8: memref<40x128xi32, #tpu.memory_space<vmem>>, %arg9: memref<128x128xf32, #tpu.memory_space<vmem>>, %arg10: memref<128x128xf32, #tpu.memory_space<vmem>>, %arg11: memref<10112x128xf32, #tpu.memory_space<vmem_shared>>, %arg12: memref<!tpu.dma_semaphore, #tpu.memory_space<semaphore_mem>>, %arg13: memref<!tpu.dma_semaphore, #tpu.memory_space<semaphore_mem>>) attributes {dimension_semantics = [#tpu.dimension_semantics<core_parallel>, #tpu.dimension_semantics<subcore_parallel>], iteration_bounds = array<i64: 2, 16>, scalar_prefetch = 0 : i64, scratch_operands = 7 : i64, tpu.core_type = #tpu.core_type<sc_vector_subcore>, window_params = [{transform_indices = #map}, {transform_indices = #map1}, {transform_indices = #map1}, {transform_indices = #map}, {transform_indices = #map}]} {
    %mul3A = arith.constant 16 : i32
    %mul3A_0 = arith.muli %arg0, %mul3A : i32
    %add3A = arith.addi %mul3A_0, %arg1 : i32
    %dma_start3A = arith.constant 0 : i32
    %dma_start3A_1 = arith.constant 0 : i32
    %dma_start3A_2 = tpu.memref_slice %arg3[%add3A, %dma_start3A, %dma_start3A_1] : memref<32x40x128xi32, #tpu.memory_space<hbm>> -> memref<1x40x128xi32, #tpu.memory_space<hbm>>
    %dma_start3A_3 = tpu.memref_squeeze %dma_start3A_2 : memref<1x40x128xi32, #tpu.memory_space<hbm>> -> memref<40x128xi32, #tpu.memory_space<hbm>>
    %dma_start3A_4 = arith.constant 0 : i32
    %dma_start3A_5 = arith.constant 0 : i32
    %dma_start3A_6 = tpu.memref_slice %arg3[%add3A, %dma_start3A_4, %dma_start3A_5] : memref<32x40x128xi32, #tpu.memory_space<hbm>> -> memref<1x40x128xi32, #tpu.memory_space<hbm>>
    %dma_start3A_7 = tpu.memref_squeeze %dma_start3A_6 : memref<1x40x128xi32, #tpu.memory_space<hbm>> -> memref<40x128xi32, #tpu.memory_space<hbm>>
    tpu.enqueue_dma source(%dma_start3A_7 : memref<40x128xi32, #tpu.memory_space<hbm>>) target(%arg7 : memref<40x128xi32, #tpu.memory_space<vmem>>) target_semaphore(%arg12 : memref<!tpu.dma_semaphore, #tpu.memory_space<semaphore_mem>>)
    %dma_start3A_8 = arith.constant 0 : i32
    %dma_start3A_9 = arith.constant 0 : i32
    %dma_start3A_10 = tpu.memref_slice %arg4[%add3A, %dma_start3A_8, %dma_start3A_9] : memref<32x40x128xi32, #tpu.memory_space<hbm>> -> memref<1x40x128xi32, #tpu.memory_space<hbm>>
    %dma_start3A_11 = tpu.memref_squeeze %dma_start3A_10 : memref<1x40x128xi32, #tpu.memory_space<hbm>> -> memref<40x128xi32, #tpu.memory_space<hbm>>
    %dma_start3A_12 = arith.constant 0 : i32
    %dma_start3A_13 = arith.constant 0 : i32
    %dma_start3A_14 = tpu.memref_slice %arg4[%add3A, %dma_start3A_12, %dma_start3A_13] : memref<32x40x128xi32, #tpu.memory_space<hbm>> -> memref<1x40x128xi32, #tpu.memory_space<hbm>>
    %dma_start3A_15 = tpu.memref_squeeze %dma_start3A_14 : memref<1x40x128xi32, #tpu.memory_space<hbm>> -> memref<40x128xi32, #tpu.memory_space<hbm>>
    tpu.enqueue_dma source(%dma_start3A_15 : memref<40x128xi32, #tpu.memory_space<hbm>>) target(%arg8 : memref<40x128xi32, #tpu.memory_space<vmem>>) target_semaphore(%arg13 : memref<!tpu.dma_semaphore, #tpu.memory_space<semaphore_mem>>)
    %scan3A = arith.constant 0 : i32
    %scan3A_16 = arith.constant 0 : i32
    %scan3A_17 = arith.constant 1024 : i32
    %scan3A_18 = arith.addi %scan3A_16, %scan3A_17 : i32
    %scan3A_19 = arith.constant 1 : i32
    %scan3A_20 = scf.for %scan3A_78 = %scan3A_16 to %scan3A_18 step %scan3A_19 iter_args(%scan3A_79 = %scan3A) -> (i32)  : i32 {
      %broadcast_in_dim3A = arith.constant 0.000000e+00 : f32
      %broadcast_in_dim3A_80 = vector.broadcast %broadcast_in_dim3A : f32 to vector<16xf32>
      %jit3A = arith.constant 8 : i32
      %div3A = arith.divsi %scan3A_78, %jit3A : i32
      %sign3A = arith.constant 0 : i32
      %sign3A_81 = arith.cmpi sgt, %scan3A_78, %sign3A : i32
      %sign3A_82 = arith.extui %sign3A_81 : i1 to i32
      %sign3A_83 = arith.constant 0 : i32
      %sign3A_84 = arith.cmpi slt, %scan3A_78, %sign3A_83 : i32
      %sign3A_85 = arith.extui %sign3A_84 : i1 to i32
      %sign3A_86 = arith.subi %sign3A_82, %sign3A_85 : i32
      %sign3A_87 = arith.constant 0 : i32
      %sign3A_88 = arith.cmpi sgt, %jit3A, %sign3A_87 : i32
      %sign3A_89 = arith.extui %sign3A_88 : i1 to i32
      %sign3A_90 = arith.constant 0 : i32
      %sign3A_91 = arith.cmpi slt, %jit3A, %sign3A_90 : i32
      %sign3A_92 = arith.extui %sign3A_91 : i1 to i32
      %sign3A_93 = arith.subi %sign3A_89, %sign3A_92 : i32
      %ne3A = arith.cmpi ne, %sign3A_86, %sign3A_93 : i32
      %rem3A = arith.remsi %scan3A_78, %jit3A : i32
      %ne3A_94 = arith.constant 0 : i32
      %ne3A_95 = arith.cmpi ne, %rem3A, %ne3A_94 : i32
      %and3A = arith.andi %ne3A, %ne3A_95 : i1
      %sub3A = arith.constant 1 : i32
      %sub3A_96 = arith.subi %div3A, %sub3A : i32
      %select_n3A = arith.select %and3A, %sub3A_96, %div3A : i32
      %jit3A_97 = arith.constant 8 : i32
      %eq3A_98 = arith.constant 0 : i32
      %eq3A_99 = arith.cmpi eq, %jit3A_97, %eq3A_98 : i32
      %jit3A_100 = arith.constant 1 : i32
      %select_n3A_101 = arith.select %eq3A_99, %jit3A_100, %jit3A_97 : i32
      %rem3A_102 = arith.remsi %scan3A_78, %select_n3A_101 : i32
      %ne3A_103 = arith.constant 0 : i32
      %ne3A_104 = arith.cmpi ne, %rem3A_102, %ne3A_103 : i32
      %lt3A = arith.constant 0 : i32
      %lt3A_105 = arith.cmpi slt, %rem3A_102, %lt3A : i32
      %lt3A_106 = arith.constant 0 : i32
      %lt3A_107 = arith.cmpi slt, %select_n3A_101, %lt3A_106 : i32
      %ne3A_108 = arith.xori %lt3A_105, %lt3A_107 : i1
      %and3A_109 = arith.andi %ne3A_108, %ne3A_104 : i1
      %add3A_110 = arith.addi %rem3A_102, %select_n3A_101 : i32
      %select_n3A_111 = arith.select %and3A_109, %add3A_110, %rem3A_102 : i32
      %mul3A_112 = arith.constant 16 : i32
      %mul3A_113 = arith.muli %select_n3A_111, %mul3A_112 : i32
      %swap3A = arith.index_cast %select_n3A : i32 to index
      %swap3A_114 = arith.index_cast %mul3A_113 : i32 to index
      %swap3A_115 = tpu.vector_load %arg9[%swap3A, %swap3A_114] {strides = array<i32>} : memref<128x128xf32, #tpu.memory_space<vmem>>, vector<1x16xf32>,
      %swap3A_116 = vector.shape_cast %swap3A_115 : vector<1x16xf32> to vector<16xf32>
      %swap3A_117 = vector.shape_cast %broadcast_in_dim3A_80 : vector<16xf32> to vector<1x16xf32>
      tpu.vector_store %arg9[%swap3A, %swap3A_114], %swap3A_117 {strides = array<i32>} : memref<128x128xf32, #tpu.memory_space<vmem>>, vector<1x16xf32>,
      %scan3A_118 = arith.constant 0 : i32
      scf.yield %scan3A_118 : i32
    }
    %scan3A_21 = arith.constant 1024 : i32
    %mul3A_22 = arith.constant 632 : i32
    %mul3A_23 = arith.muli %arg1, %mul3A_22 : i32
    %add3A_24 = arith.constant 0 : i32
    %add3A_25 = arith.addi %mul3A_23, %add3A_24 : i32
    "tpu.region"() ({
      %run_scoped3A = tpu.sem_alloc : memref<!tpu.dma_semaphore, #tpu.memory_space<semaphore_mem>>
      %dma_start3A_78 = arith.constant 0 : i32
      %dma_start3A_79 = arith.constant 0 : i32
      %dma_start3A_80 = tpu.memref_slice %arg9[%dma_start3A_78, %dma_start3A_79] : memref<128x128xf32, #tpu.memory_space<vmem>> -> memref<128x128xf32, #tpu.memory_space<vmem>>
      %dma_start3A_81 = arith.constant 0 : i32
      %dma_start3A_82 = tpu.memref_slice %arg11[%add3A_25, %dma_start3A_81] : memref<10112x128xf32, #tpu.memory_space<vmem_shared>> -> memref<128x128xf32, #tpu.memory_space<vmem_shared>>
      %dma_start3A_83 = arith.constant 0 : i32
      %dma_start3A_84 = tpu.memref_slice %arg11[%add3A_25, %dma_start3A_83] : memref<10112x128xf32, #tpu.memory_space<vmem_shared>> -> memref<128x128xf32, #tpu.memory_space<vmem_shared>>
      %dma_start3A_85 = arith.constant 0 : i32
      %dma_start3A_86 = arith.constant 0 : i32
      %dma_start3A_87 = tpu.memref_slice %arg9[%dma_start3A_85, %dma_start3A_86] : memref<128x128xf32, #tpu.memory_space<vmem>> -> memref<128x128xf32, #tpu.memory_space<vmem>>
      tpu.enqueue_dma source(%dma_start3A_87 : memref<128x128xf32, #tpu.memory_space<vmem>>) target(%dma_start3A_84 : memref<128x128xf32, #tpu.memory_space<vmem_shared>>) target_semaphore(%run_scoped3A : memref<!tpu.dma_semaphore, #tpu.memory_space<semaphore_mem>>)
      %dma_wait3A_88 = arith.constant 0 : i32
      %dma_wait3A_89 = arith.constant 0 : i32
      %dma_wait3A_90 = tpu.memref_slice %arg9[%dma_wait3A_88, %dma_wait3A_89] : memref<128x128xf32, #tpu.memory_space<vmem>> -> memref<128x128xf32, #tpu.memory_space<vmem>>
      %dma_wait3A_91 = arith.constant 0 : i32
      %dma_wait3A_92 = tpu.memref_slice %arg11[%add3A_25, %dma_wait3A_91] : memref<10112x128xf32, #tpu.memory_space<vmem_shared>> -> memref<128x128xf32, #tpu.memory_space<vmem_shared>>
      %dma_wait3A_93 = arith.constant 0 : i32
      %dma_wait3A_94 = tpu.memref_slice %arg11[%add3A_25, %dma_wait3A_93] : memref<10112x128xf32, #tpu.memory_space<vmem_shared>> -> memref<128x128xf32, #tpu.memory_space<vmem_shared>>
      %dma_wait3A_95 = arith.constant 0 : i32
      %dma_wait3A_96 = arith.constant 0 : i32
      %dma_wait3A_97 = tpu.memref_slice %arg9[%dma_wait3A_95, %dma_wait3A_96] : memref<128x128xf32, #tpu.memory_space<vmem>> -> memref<128x128xf32, #tpu.memory_space<vmem>>
      tpu.wait_dma2 semaphore(%run_scoped3A : memref<!tpu.dma_semaphore, #tpu.memory_space<semaphore_mem>>) src(%dma_wait3A_97 : memref<128x128xf32, #tpu.memory_space<vmem>>) dst(%dma_wait3A_94 : memref<128x128xf32, #tpu.memory_space<vmem_shared>>)
      tpu.yield
    }) : () -> ()
    %add3A_26 = arith.constant 128 : i32
    %add3A_27 = arith.addi %mul3A_23, %add3A_26 : i32
    "tpu.region"() ({
      %run_scoped3A = tpu.sem_alloc : memref<!tpu.dma_semaphore, #tpu.memory_space<semaphore_mem>>
      %dma_start3A_78 = arith.constant 0 : i32
      %dma_start3A_79 = arith.constant 0 : i32
      %dma_start3A_80 = tpu.memref_slice %arg9[%dma_start3A_78, %dma_start3A_79] : memref<128x128xf32, #tpu.memory_space<vmem>> -> memref<128x128xf32, #tpu.memory_space<vmem>>
      %dma_start3A_81 = arith.constant 0 : i32
      %dma_start3A_82 = tpu.memref_slice %arg11[%add3A_27, %dma_start3A_81] : memref<10112x128xf32, #tpu.memory_space<vmem_shared>> -> memref<128x128xf32, #tpu.memory_space<vmem_shared>>
      %dma_start3A_83 = arith.constant 0 : i32
      %dma_start3A_84 = tpu.memref_slice %arg11[%add3A_27, %dma_start3A_83] : memref<10112x128xf32, #tpu.memory_space<vmem_shared>> -> memref<128x128xf32, #tpu.memory_space<vmem_shared>>
      %dma_start3A_85 = arith.constant 0 : i32
      %dma_start3A_86 = arith.constant 0 : i32
      %dma_start3A_87 = tpu.memref_slice %arg9[%dma_start3A_85, %dma_start3A_86] : memref<128x128xf32, #tpu.memory_space<vmem>> -> memref<128x128xf32, #tpu.memory_space<vmem>>
      tpu.enqueue_dma source(%dma_start3A_87 : memref<128x128xf32, #tpu.memory_space<vmem>>) target(%dma_start3A_84 : memref<128x128xf32, #tpu.memory_space<vmem_shared>>) target_semaphore(%run_scoped3A : memref<!tpu.dma_semaphore, #tpu.memory_space<semaphore_mem>>)
      %dma_wait3A_88 = arith.constant 0 : i32
      %dma_wait3A_89 = arith.constant 0 : i32
      %dma_wait3A_90 = tpu.memref_slice %arg9[%dma_wait3A_88, %dma_wait3A_89] : memref<128x128xf32, #tpu.memory_space<vmem>> -> memref<128x128xf32, #tpu.memory_space<vmem>>
      %dma_wait3A_91 = arith.constant 0 : i32
      %dma_wait3A_92 = tpu.memref_slice %arg11[%add3A_27, %dma_wait3A_91] : memref<10112x128xf32, #tpu.memory_space<vmem_shared>> -> memref<128x128xf32, #tpu.memory_space<vmem_shared>>
      %dma_wait3A_93 = arith.constant 0 : i32
      %dma_wait3A_94 = tpu.memref_slice %arg11[%add3A_27, %dma_wait3A_93] : memref<10112x128xf32, #tpu.memory_space<vmem_shared>> -> memref<128x128xf32, #tpu.memory_space<vmem_shared>>
      %dma_wait3A_95 = arith.constant 0 : i32
      %dma_wait3A_96 = arith.constant 0 : i32
      %dma_wait3A_97 = tpu.memref_slice %arg9[%dma_wait3A_95, %dma_wait3A_96] : memref<128x128xf32, #tpu.memory_space<vmem>> -> memref<128x128xf32, #tpu.memory_space<vmem>>
      tpu.wait_dma2 semaphore(%run_scoped3A : memref<!tpu.dma_semaphore, #tpu.memory_space<semaphore_mem>>) src(%dma_wait3A_97 : memref<128x128xf32, #tpu.memory_space<vmem>>) dst(%dma_wait3A_94 : memref<128x128xf32, #tpu.memory_space<vmem_shared>>)
      tpu.yield
    }) : () -> ()
    %add3A_28 = arith.constant 256 : i32
    %add3A_29 = arith.addi %mul3A_23, %add3A_28 : i32
    "tpu.region"() ({
      %run_scoped3A = tpu.sem_alloc : memref<!tpu.dma_semaphore, #tpu.memory_space<semaphore_mem>>
      %dma_start3A_78 = arith.constant 0 : i32
      %dma_start3A_79 = arith.constant 0 : i32
      %dma_start3A_80 = tpu.memref_slice %arg9[%dma_start3A_78, %dma_start3A_79] : memref<128x128xf32, #tpu.memory_space<vmem>> -> memref<128x128xf32, #tpu.memory_space<vmem>>
      %dma_start3A_81 = arith.constant 0 : i32
      %dma_start3A_82 = tpu.memref_slice %arg11[%add3A_29, %dma_start3A_81] : memref<10112x128xf32, #tpu.memory_space<vmem_shared>> -> memref<128x128xf32, #tpu.memory_space<vmem_shared>>
      %dma_start3A_83 = arith.constant 0 : i32
      %dma_start3A_84 = tpu.memref_slice %arg11[%add3A_29, %dma_start3A_83] : memref<10112x128xf32, #tpu.memory_space<vmem_shared>> -> memref<128x128xf32, #tpu.memory_space<vmem_shared>>
      %dma_start3A_85 = arith.constant 0 : i32
      %dma_start3A_86 = arith.constant 0 : i32
      %dma_start3A_87 = tpu.memref_slice %arg9[%dma_start3A_85, %dma_start3A_86] : memref<128x128xf32, #tpu.memory_space<vmem>> -> memref<128x128xf32, #tpu.memory_space<vmem>>
      tpu.enqueue_dma source(%dma_start3A_87 : memref<128x128xf32, #tpu.memory_space<vmem>>) target(%dma_start3A_84 : memref<128x128xf32, #tpu.memory_space<vmem_shared>>) target_semaphore(%run_scoped3A : memref<!tpu.dma_semaphore, #tpu.memory_space<semaphore_mem>>)
      %dma_wait3A_88 = arith.constant 0 : i32
      %dma_wait3A_89 = arith.constant 0 : i32
      %dma_wait3A_90 = tpu.memref_slice %arg9[%dma_wait3A_88, %dma_wait3A_89] : memref<128x128xf32, #tpu.memory_space<vmem>> -> memref<128x128xf32, #tpu.memory_space<vmem>>
      %dma_wait3A_91 = arith.constant 0 : i32
      %dma_wait3A_92 = tpu.memref_slice %arg11[%add3A_29, %dma_wait3A_91] : memref<10112x128xf32, #tpu.memory_space<vmem_shared>> -> memref<128x128xf32, #tpu.memory_space<vmem_shared>>
      %dma_wait3A_93 = arith.constant 0 : i32
      %dma_wait3A_94 = tpu.memref_slice %arg11[%add3A_29, %dma_wait3A_93] : memref<10112x128xf32, #tpu.memory_space<vmem_shared>> -> memref<128x128xf32, #tpu.memory_space<vmem_shared>>
      %dma_wait3A_95 = arith.constant 0 : i32
      %dma_wait3A_96 = arith.constant 0 : i32
      %dma_wait3A_97 = tpu.memref_slice %arg9[%dma_wait3A_95, %dma_wait3A_96] : memref<128x128xf32, #tpu.memory_space<vmem>> -> memref<128x128xf32, #tpu.memory_space<vmem>>
      tpu.wait_dma2 semaphore(%run_scoped3A : memref<!tpu.dma_semaphore, #tpu.memory_space<semaphore_mem>>) src(%dma_wait3A_97 : memref<128x128xf32, #tpu.memory_space<vmem>>) dst(%dma_wait3A_94 : memref<128x128xf32, #tpu.memory_space<vmem_shared>>)
      tpu.yield
    }) : () -> ()
    %add3A_30 = arith.constant 384 : i32
    %add3A_31 = arith.addi %mul3A_23, %add3A_30 : i32
    "tpu.region"() ({
      %run_scoped3A = tpu.sem_alloc : memref<!tpu.dma_semaphore, #tpu.memory_space<semaphore_mem>>
      %dma_start3A_78 = arith.constant 0 : i32
      %dma_start3A_79 = arith.constant 0 : i32
      %dma_start3A_80 = tpu.memref_slice %arg9[%dma_start3A_78, %dma_start3A_79] : memref<128x128xf32, #tpu.memory_space<vmem>> -> memref<128x128xf32, #tpu.memory_space<vmem>>
      %dma_start3A_81 = arith.constant 0 : i32
      %dma_start3A_82 = tpu.memref_slice %arg11[%add3A_31, %dma_start3A_81] : memref<10112x128xf32, #tpu.memory_space<vmem_shared>> -> memref<128x128xf32, #tpu.memory_space<vmem_shared>>
      %dma_start3A_83 = arith.constant 0 : i32
      %dma_start3A_84 = tpu.memref_slice %arg11[%add3A_31, %dma_start3A_83] : memref<10112x128xf32, #tpu.memory_space<vmem_shared>> -> memref<128x128xf32, #tpu.memory_space<vmem_shared>>
      %dma_start3A_85 = arith.constant 0 : i32
      %dma_start3A_86 = arith.constant 0 : i32
      %dma_start3A_87 = tpu.memref_slice %arg9[%dma_start3A_85, %dma_start3A_86] : memref<128x128xf32, #tpu.memory_space<vmem>> -> memref<128x128xf32, #tpu.memory_space<vmem>>
      tpu.enqueue_dma source(%dma_start3A_87 : memref<128x128xf32, #tpu.memory_space<vmem>>) target(%dma_start3A_84 : memref<128x128xf32, #tpu.memory_space<vmem_shared>>) target_semaphore(%run_scoped3A : memref<!tpu.dma_semaphore, #tpu.memory_space<semaphore_mem>>)
      %dma_wait3A_88 = arith.constant 0 : i32
      %dma_wait3A_89 = arith.constant 0 : i32
      %dma_wait3A_90 = tpu.memref_slice %arg9[%dma_wait3A_88, %dma_wait3A_89] : memref<128x128xf32, #tpu.memory_space<vmem>> -> memref<128x128xf32, #tpu.memory_space<vmem>>
      %dma_wait3A_91 = arith.constant 0 : i32
      %dma_wait3A_92 = tpu.memref_slice %arg11[%add3A_31, %dma_wait3A_91] : memref<10112x128xf32, #tpu.memory_space<vmem_shared>> -> memref<128x128xf32, #tpu.memory_space<vmem_shared>>
      %dma_wait3A_93 = arith.constant 0 : i32
      %dma_wait3A_94 = tpu.memref_slice %arg11[%add3A_31, %dma_wait3A_93] : memref<10112x128xf32, #tpu.memory_space<vmem_shared>> -> memref<128x128xf32, #tpu.memory_space<vmem_shared>>
      %dma_wait3A_95 = arith.constant 0 : i32
      %dma_wait3A_96 = arith.constant 0 : i32
      %dma_wait3A_97 = tpu.memref_slice %arg9[%dma_wait3A_95, %dma_wait3A_96] : memref<128x128xf32, #tpu.memory_space<vmem>> -> memref<128x128xf32, #tpu.memory_space<vmem>>
      tpu.wait_dma2 semaphore(%run_scoped3A : memref<!tpu.dma_semaphore, #tpu.memory_space<semaphore_mem>>) src(%dma_wait3A_97 : memref<128x128xf32, #tpu.memory_space<vmem>>) dst(%dma_wait3A_94 : memref<128x128xf32, #tpu.memory_space<vmem_shared>>)
      tpu.yield
    }) : () -> ()
    %add3A_32 = arith.constant 512 : i32
    %add3A_33 = arith.addi %mul3A_23, %add3A_32 : i32
    "tpu.region"() ({
      %run_scoped3A = tpu.sem_alloc : memref<!tpu.dma_semaphore, #tpu.memory_space<semaphore_mem>>
      %dma_start3A_78 = arith.constant 0 : i32
      %dma_start3A_79 = arith.constant 0 : i32
      %dma_start3A_80 = tpu.memref_slice %arg9[%dma_start3A_78, %dma_start3A_79] : memref<128x128xf32, #tpu.memory_space<vmem>> -> memref<120x128xf32, #tpu.memory_space<vmem>>
      %dma_start3A_81 = arith.constant 0 : i32
      %dma_start3A_82 = tpu.memref_slice %arg11[%add3A_33, %dma_start3A_81] : memref<10112x128xf32, #tpu.memory_space<vmem_shared>> -> memref<120x128xf32, #tpu.memory_space<vmem_shared>>
      %dma_start3A_83 = arith.constant 0 : i32
      %dma_start3A_84 = tpu.memref_slice %arg11[%add3A_33, %dma_start3A_83] : memref<10112x128xf32, #tpu.memory_space<vmem_shared>> -> memref<120x128xf32, #tpu.memory_space<vmem_shared>>
      %dma_start3A_85 = arith.constant 0 : i32
      %dma_start3A_86 = arith.constant 0 : i32
      %dma_start3A_87 = tpu.memref_slice %arg9[%dma_start3A_85, %dma_start3A_86] : memref<128x128xf32, #tpu.memory_space<vmem>> -> memref<120x128xf32, #tpu.memory_space<vmem>>
      tpu.enqueue_dma source(%dma_start3A_87 : memref<120x128xf32, #tpu.memory_space<vmem>>) target(%dma_start3A_84 : memref<120x128xf32, #tpu.memory_space<vmem_shared>>) target_semaphore(%run_scoped3A : memref<!tpu.dma_semaphore, #tpu.memory_space<semaphore_mem>>)
      %dma_wait3A_88 = arith.constant 0 : i32
      %dma_wait3A_89 = arith.constant 0 : i32
      %dma_wait3A_90 = tpu.memref_slice %arg9[%dma_wait3A_88, %dma_wait3A_89] : memref<128x128xf32, #tpu.memory_space<vmem>> -> memref<120x128xf32, #tpu.memory_space<vmem>>
      %dma_wait3A_91 = arith.constant 0 : i32
      %dma_wait3A_92 = tpu.memref_slice %arg11[%add3A_33, %dma_wait3A_91] : memref<10112x128xf32, #tpu.memory_space<vmem_shared>> -> memref<120x128xf32, #tpu.memory_space<vmem_shared>>
      %dma_wait3A_93 = arith.constant 0 : i32
      %dma_wait3A_94 = tpu.memref_slice %arg11[%add3A_33, %dma_wait3A_93] : memref<10112x128xf32, #tpu.memory_space<vmem_shared>> -> memref<120x128xf32, #tpu.memory_space<vmem_shared>>
      %dma_wait3A_95 = arith.constant 0 : i32
      %dma_wait3A_96 = arith.constant 0 : i32
      %dma_wait3A_97 = tpu.memref_slice %arg9[%dma_wait3A_95, %dma_wait3A_96] : memref<128x128xf32, #tpu.memory_space<vmem>> -> memref<120x128xf32, #tpu.memory_space<vmem>>
      tpu.wait_dma2 semaphore(%run_scoped3A : memref<!tpu.dma_semaphore, #tpu.memory_space<semaphore_mem>>) src(%dma_wait3A_97 : memref<120x128xf32, #tpu.memory_space<vmem>>) dst(%dma_wait3A_94 : memref<120x128xf32, #tpu.memory_space<vmem_shared>>)
      tpu.yield
    }) : () -> ()
    %dma_wait3A = arith.constant 0 : i32
    %dma_wait3A_34 = arith.constant 0 : i32
    %dma_wait3A_35 = tpu.memref_slice %arg3[%add3A, %dma_wait3A, %dma_wait3A_34] : memref<32x40x128xi32, #tpu.memory_space<hbm>> -> memref<1x40x128xi32, #tpu.memory_space<hbm>>
    %dma_wait3A_36 = tpu.memref_squeeze %dma_wait3A_35 : memref<1x40x128xi32, #tpu.memory_space<hbm>> -> memref<40x128xi32, #tpu.memory_space<hbm>>
    %dma_wait3A_37 = arith.constant 0 : i32
    %dma_wait3A_38 = arith.constant 0 : i32
    %dma_wait3A_39 = tpu.memref_slice %arg3[%add3A, %dma_wait3A_37, %dma_wait3A_38] : memref<32x40x128xi32, #tpu.memory_space<hbm>> -> memref<1x40x128xi32, #tpu.memory_space<hbm>>
    %dma_wait3A_40 = tpu.memref_squeeze %dma_wait3A_39 : memref<1x40x128xi32, #tpu.memory_space<hbm>> -> memref<40x128xi32, #tpu.memory_space<hbm>>
    tpu.wait_dma2 semaphore(%arg12 : memref<!tpu.dma_semaphore, #tpu.memory_space<semaphore_mem>>) src(%dma_wait3A_40 : memref<40x128xi32, #tpu.memory_space<hbm>>) dst(%arg7 : memref<40x128xi32, #tpu.memory_space<vmem>>)
    %dma_wait3A_41 = arith.constant 0 : i32
    %dma_wait3A_42 = arith.constant 0 : i32
    %dma_wait3A_43 = tpu.memref_slice %arg4[%add3A, %dma_wait3A_41, %dma_wait3A_42] : memref<32x40x128xi32, #tpu.memory_space<hbm>> -> memref<1x40x128xi32, #tpu.memory_space<hbm>>
    %dma_wait3A_44 = tpu.memref_squeeze %dma_wait3A_43 : memref<1x40x128xi32, #tpu.memory_space<hbm>> -> memref<40x128xi32, #tpu.memory_space<hbm>>
    %dma_wait3A_45 = arith.constant 0 : i32
    %dma_wait3A_46 = arith.constant 0 : i32
    %dma_wait3A_47 = tpu.memref_slice %arg4[%add3A, %dma_wait3A_45, %dma_wait3A_46] : memref<32x40x128xi32, #tpu.memory_space<hbm>> -> memref<1x40x128xi32, #tpu.memory_space<hbm>>
    %dma_wait3A_48 = tpu.memref_squeeze %dma_wait3A_47 : memref<1x40x128xi32, #tpu.memory_space<hbm>> -> memref<40x128xi32, #tpu.memory_space<hbm>>
    tpu.wait_dma2 semaphore(%arg13 : memref<!tpu.dma_semaphore, #tpu.memory_space<semaphore_mem>>) src(%dma_wait3A_48 : memref<40x128xi32, #tpu.memory_space<hbm>>) dst(%arg8 : memref<40x128xi32, #tpu.memory_space<vmem>>)
    %barrier3A = arith.constant 0 : index
    tpu.barrier barrier_id(%barrier3A)
    %dma_start3A_49 = arith.constant 0 : i32
    %dma_start3A_50 = arith.constant 0 : i32
    %dma_start3A_51 = tpu.memref_slice %arg7[%dma_start3A_49, %dma_start3A_50] : memref<40x128xi32, #tpu.memory_space<vmem>> -> memref<1x128xi32, #tpu.memory_space<vmem>>
    %dma_start3A_52 = tpu.memref_squeeze %dma_start3A_51 : memref<1x128xi32, #tpu.memory_space<vmem>> -> memref<128xi32, #tpu.memory_space<vmem>>
    %dma_start3A_53 = arith.constant 0 : i32
    %dma_start3A_54 = arith.constant 0 : i32
    %dma_start3A_55 = tpu.memref_slice %arg2[%dma_start3A_53, %dma_start3A_54] : memref<10000x128xf32, #tpu.memory_space<hbm>> -> memref<10000x128xf32, #tpu.memory_space<hbm>>
    tpu.enqueue_indirect_dma source(%dma_start3A_55 : memref<10000x128xf32, #tpu.memory_space<hbm>>) target(%arg9 : memref<128x128xf32, #tpu.memory_space<vmem>>) offsets(%dma_start3A_52 : memref<128xi32, #tpu.memory_space<vmem>>) semaphore(%arg12 : memref<!tpu.dma_semaphore, #tpu.memory_space<semaphore_mem>>)
    %dma_start3A_56 = arith.constant 1 : i32
    %dma_start3A_57 = arith.constant 0 : i32
    %dma_start3A_58 = tpu.memref_slice %arg7[%dma_start3A_56, %dma_start3A_57] : memref<40x128xi32, #tpu.memory_space<vmem>> -> memref<1x128xi32, #tpu.memory_space<vmem>>
    %dma_start3A_59 = tpu.memref_squeeze %dma_start3A_58 : memref<1x128xi32, #tpu.memory_space<vmem>> -> memref<128xi32, #tpu.memory_space<vmem>>
    %dma_start3A_60 = arith.constant 0 : i32
    %dma_start3A_61 = arith.constant 0 : i32
    %dma_start3A_62 = tpu.memref_slice %arg2[%dma_start3A_60, %dma_start3A_61] : memref<10000x128xf32, #tpu.memory_space<hbm>> -> memref<10000x128xf32, #tpu.memory_space<hbm>>
    tpu.enqueue_indirect_dma source(%dma_start3A_62 : memref<10000x128xf32, #tpu.memory_space<hbm>>) target(%arg10 : memref<128x128xf32, #tpu.memory_space<vmem>>) offsets(%dma_start3A_59 : memref<128xi32, #tpu.memory_space<vmem>>) semaphore(%arg13 : memref<!tpu.dma_semaphore, #tpu.memory_space<semaphore_mem>>)
    %scan3A_63 = arith.constant 0 : i32
    %scan3A_64 = arith.constant 0 : i32
    %scan3A_65 = arith.constant 20 : i32
    %scan3A_66 = arith.addi %scan3A_64, %scan3A_65 : i32
    %scan3A_67 = arith.constant 1 : i32
    %scan3A_68 = scf.for %scan3A_78 = %scan3A_64 to %scan3A_66 step %scan3A_67 iter_args(%scan3A_79 = %scan3A_63) -> (i32)  : i32 {
      %mul3A_80 = arith.constant 2 : i32
      %mul3A_81 = arith.muli %mul3A_80, %scan3A_78 : i32
      %add3A_82 = arith.constant 0 : i32
      %add3A_83 = arith.addi %mul3A_81, %add3A_82 : i32
      %dma_wait3A_84 = arith.constant 0 : i32
      %dma_wait3A_85 = tpu.memref_slice %arg7[%add3A_83, %dma_wait3A_84] : memref<40x128xi32, #tpu.memory_space<vmem>> -> memref<1x128xi32, #tpu.memory_space<vmem>>
      %dma_wait3A_86 = tpu.memref_squeeze %dma_wait3A_85 : memref<1x128xi32, #tpu.memory_space<vmem>> -> memref<128xi32, #tpu.memory_space<vmem>>
      %dma_wait3A_87 = arith.constant 0 : i32
      %dma_wait3A_88 = arith.constant 0 : i32
      %dma_wait3A_89 = tpu.memref_slice %arg2[%dma_wait3A_87, %dma_wait3A_88] : memref<10000x128xf32, #tpu.memory_space<hbm>> -> memref<10000x128xf32, #tpu.memory_space<hbm>>
      tpu.wait_indirect_dma semaphore(%arg12 : memref<!tpu.dma_semaphore, #tpu.memory_space<semaphore_mem>>) src(%dma_wait3A_89 : memref<10000x128xf32, #tpu.memory_space<hbm>>) dst(%arg9 : memref<128x128xf32, #tpu.memory_space<vmem>>)
      "tpu.region"() ({
        %run_scoped3A = tpu.sem_alloc : memref<!tpu.dma_semaphore, #tpu.memory_space<semaphore_mem>>
        %dma_start3A_114 = arith.constant 0 : i32
        %dma_start3A_115 = tpu.memref_slice %arg8[%add3A_83, %dma_start3A_114] : memref<40x128xi32, #tpu.memory_space<vmem>> -> memref<1x128xi32, #tpu.memory_space<vmem>>
        %dma_start3A_116 = tpu.memref_squeeze %dma_start3A_115 : memref<1x128xi32, #tpu.memory_space<vmem>> -> memref<128xi32, #tpu.memory_space<vmem>>
        %dma_start3A_117 = arith.constant 0 : i32
        %dma_start3A_118 = arith.constant 0 : i32
        %dma_start3A_119 = tpu.memref_slice %arg11[%dma_start3A_117, %dma_start3A_118] : memref<10112x128xf32, #tpu.memory_space<vmem_shared>> -> memref<10112x128xf32, #tpu.memory_space<vmem_shared>>
        tpu.enqueue_indirect_dma source(%arg9 : memref<128x128xf32, #tpu.memory_space<vmem>>) target(%dma_start3A_119 : memref<10112x128xf32, #tpu.memory_space<vmem_shared>>) offsets(%dma_start3A_116 : memref<128xi32, #tpu.memory_space<vmem>>) semaphore(%run_scoped3A : memref<!tpu.dma_semaphore, #tpu.memory_space<semaphore_mem>>) {add = true}
        %dma_wait3A_120 = arith.constant 0 : i32
        %dma_wait3A_121 = tpu.memref_slice %arg8[%add3A_83, %dma_wait3A_120] : memref<40x128xi32, #tpu.memory_space<vmem>> -> memref<1x128xi32, #tpu.memory_space<vmem>>
        %dma_wait3A_122 = tpu.memref_squeeze %dma_wait3A_121 : memref<1x128xi32, #tpu.memory_space<vmem>> -> memref<128xi32, #tpu.memory_space<vmem>>
        %dma_wait3A_123 = arith.constant 0 : i32
        %dma_wait3A_124 = arith.constant 0 : i32
        %dma_wait3A_125 = tpu.memref_slice %arg11[%dma_wait3A_123, %dma_wait3A_124] : memref<10112x128xf32, #tpu.memory_space<vmem_shared>> -> memref<10112x128xf32, #tpu.memory_space<vmem_shared>>
        tpu.wait_indirect_dma semaphore(%run_scoped3A : memref<!tpu.dma_semaphore, #tpu.memory_space<semaphore_mem>>) src(%arg9 : memref<128x128xf32, #tpu.memory_space<vmem>>) dst(%dma_wait3A_125 : memref<10112x128xf32, #tpu.memory_space<vmem_shared>>)
        tpu.yield
      }) : () -> ()
      %add3A_90 = arith.constant 2 : i32
      %add3A_91 = arith.addi %add3A_83, %add3A_90 : i32
      %lt3A = arith.constant 40 : i32
      %lt3A_92 = arith.cmpi slt, %add3A_91, %lt3A : i32
      %convert_element_type3A_93 = arith.extui %lt3A_92 : i1 to i32
      %cond3A_94 = arith.constant 0 : i32
      %cond3A_95 = arith.cmpi ne, %convert_element_type3A_93, %cond3A_94 : i32
      scf.if %cond3A_95 {
        %add3A_114 = arith.constant 2 : i32
        %add3A_115 = arith.addi %add3A_83, %add3A_114 : i32
        %dma_start3A_116 = arith.constant 0 : i32
        %dma_start3A_117 = tpu.memref_slice %arg7[%add3A_115, %dma_start3A_116] : memref<40x128xi32, #tpu.memory_space<vmem>> -> memref<1x128xi32, #tpu.memory_space<vmem>>
        %dma_start3A_118 = tpu.memref_squeeze %dma_start3A_117 : memref<1x128xi32, #tpu.memory_space<vmem>> -> memref<128xi32, #tpu.memory_space<vmem>>
        %dma_start3A_119 = arith.constant 0 : i32
        %dma_start3A_120 = arith.constant 0 : i32
        %dma_start3A_121 = tpu.memref_slice %arg2[%dma_start3A_119, %dma_start3A_120] : memref<10000x128xf32, #tpu.memory_space<hbm>> -> memref<10000x128xf32, #tpu.memory_space<hbm>>
        tpu.enqueue_indirect_dma source(%dma_start3A_121 : memref<10000x128xf32, #tpu.memory_space<hbm>>) target(%arg9 : memref<128x128xf32, #tpu.memory_space<vmem>>) offsets(%dma_start3A_118 : memref<128xi32, #tpu.memory_space<vmem>>) semaphore(%arg12 : memref<!tpu.dma_semaphore, #tpu.memory_space<semaphore_mem>>)
      } else {
      }
      %mul3A_96 = arith.constant 2 : i32
      %mul3A_97 = arith.muli %mul3A_96, %scan3A_78 : i32
      %add3A_98 = arith.constant 1 : i32
      %add3A_99 = arith.addi %mul3A_97, %add3A_98 : i32
      %dma_wait3A_100 = arith.constant 0 : i32
      %dma_wait3A_101 = tpu.memref_slice %arg7[%add3A_99, %dma_wait3A_100] : memref<40x128xi32, #tpu.memory_space<vmem>> -> memref<1x128xi32, #tpu.memory_space<vmem>>
      %dma_wait3A_102 = tpu.memref_squeeze %dma_wait3A_101 : memref<1x128xi32, #tpu.memory_space<vmem>> -> memref<128xi32, #tpu.memory_space<vmem>>
      %dma_wait3A_103 = arith.constant 0 : i32
      %dma_wait3A_104 = arith.constant 0 : i32
      %dma_wait3A_105 = tpu.memref_slice %arg2[%dma_wait3A_103, %dma_wait3A_104] : memref<10000x128xf32, #tpu.memory_space<hbm>> -> memref<10000x128xf32, #tpu.memory_space<hbm>>
      tpu.wait_indirect_dma semaphore(%arg13 : memref<!tpu.dma_semaphore, #tpu.memory_space<semaphore_mem>>) src(%dma_wait3A_105 : memref<10000x128xf32, #tpu.memory_space<hbm>>) dst(%arg10 : memref<128x128xf32, #tpu.memory_space<vmem>>)
      "tpu.region"() ({
        %run_scoped3A = tpu.sem_alloc : memref<!tpu.dma_semaphore, #tpu.memory_space<semaphore_mem>>
        %dma_start3A_114 = arith.constant 0 : i32
        %dma_start3A_115 = tpu.memref_slice %arg8[%add3A_99, %dma_start3A_114] : memref<40x128xi32, #tpu.memory_space<vmem>> -> memref<1x128xi32, #tpu.memory_space<vmem>>
        %dma_start3A_116 = tpu.memref_squeeze %dma_start3A_115 : memref<1x128xi32, #tpu.memory_space<vmem>> -> memref<128xi32, #tpu.memory_space<vmem>>
        %dma_start3A_117 = arith.constant 0 : i32
        %dma_start3A_118 = arith.constant 0 : i32
        %dma_start3A_119 = tpu.memref_slice %arg11[%dma_start3A_117, %dma_start3A_118] : memref<10112x128xf32, #tpu.memory_space<vmem_shared>> -> memref<10112x128xf32, #tpu.memory_space<vmem_shared>>
        tpu.enqueue_indirect_dma source(%arg10 : memref<128x128xf32, #tpu.memory_space<vmem>>) target(%dma_start3A_119 : memref<10112x128xf32, #tpu.memory_space<vmem_shared>>) offsets(%dma_start3A_116 : memref<128xi32, #tpu.memory_space<vmem>>) semaphore(%run_scoped3A : memref<!tpu.dma_semaphore, #tpu.memory_space<semaphore_mem>>) {add = true}
        %dma_wait3A_120 = arith.constant 0 : i32
        %dma_wait3A_121 = tpu.memref_slice %arg8[%add3A_99, %dma_wait3A_120] : memref<40x128xi32, #tpu.memory_space<vmem>> -> memref<1x128xi32, #tpu.memory_space<vmem>>
        %dma_wait3A_122 = tpu.memref_squeeze %dma_wait3A_121 : memref<1x128xi32, #tpu.memory_space<vmem>> -> memref<128xi32, #tpu.memory_space<vmem>>
        %dma_wait3A_123 = arith.constant 0 : i32
        %dma_wait3A_124 = arith.constant 0 : i32
        %dma_wait3A_125 = tpu.memref_slice %arg11[%dma_wait3A_123, %dma_wait3A_124] : memref<10112x128xf32, #tpu.memory_space<vmem_shared>> -> memref<10112x128xf32, #tpu.memory_space<vmem_shared>>
        tpu.wait_indirect_dma semaphore(%run_scoped3A : memref<!tpu.dma_semaphore, #tpu.memory_space<semaphore_mem>>) src(%arg10 : memref<128x128xf32, #tpu.memory_space<vmem>>) dst(%dma_wait3A_125 : memref<10112x128xf32, #tpu.memory_space<vmem_shared>>)
        tpu.yield
      }) : () -> ()
      %add3A_106 = arith.constant 2 : i32
      %add3A_107 = arith.addi %add3A_99, %add3A_106 : i32
      %lt3A_108 = arith.constant 40 : i32
      %lt3A_109 = arith.cmpi slt, %add3A_107, %lt3A_108 : i32
      %convert_element_type3A_110 = arith.extui %lt3A_109 : i1 to i32
      %cond3A_111 = arith.constant 0 : i32
      %cond3A_112 = arith.cmpi ne, %convert_element_type3A_110, %cond3A_111 : i32
      scf.if %cond3A_112 {
        %add3A_114 = arith.constant 2 : i32
        %add3A_115 = arith.addi %add3A_99, %add3A_114 : i32
        %dma_start3A_116 = arith.constant 0 : i32
        %dma_start3A_117 = tpu.memref_slice %arg7[%add3A_115, %dma_start3A_116] : memref<40x128xi32, #tpu.memory_space<vmem>> -> memref<1x128xi32, #tpu.memory_space<vmem>>
        %dma_start3A_118 = tpu.memref_squeeze %dma_start3A_117 : memref<1x128xi32, #tpu.memory_space<vmem>> -> memref<128xi32, #tpu.memory_space<vmem>>
        %dma_start3A_119 = arith.constant 0 : i32
        %dma_start3A_120 = arith.constant 0 : i32
        %dma_start3A_121 = tpu.memref_slice %arg2[%dma_start3A_119, %dma_start3A_120] : memref<10000x128xf32, #tpu.memory_space<hbm>> -> memref<10000x128xf32, #tpu.memory_space<hbm>>
        tpu.enqueue_indirect_dma source(%dma_start3A_121 : memref<10000x128xf32, #tpu.memory_space<hbm>>) target(%arg10 : memref<128x128xf32, #tpu.memory_space<vmem>>) offsets(%dma_start3A_118 : memref<128xi32, #tpu.memory_space<vmem>>) semaphore(%arg13 : memref<!tpu.dma_semaphore, #tpu.memory_space<semaphore_mem>>)
      } else {
      }
      %scan3A_113 = arith.constant 0 : i32
      scf.yield %scan3A_113 : i32
    }
    %scan3A_69 = arith.constant 20 : i32
    %barrier3A_70 = arith.constant 0 : index
    tpu.barrier barrier_id(%barrier3A_70)
    %eq3A = arith.constant 0 : i32
    %eq3A_71 = arith.cmpi eq, %arg0, %eq3A : i32
    %convert_element_type3A = arith.extui %eq3A_71 : i1 to i32
    %cond3A = arith.constant 0 : i32
    %cond3A_72 = arith.cmpi ne, %convert_element_type3A, %cond3A : i32
    scf.if %cond3A_72 {
      "tpu.region"() ({
        %run_scoped3A = tpu.sem_alloc : memref<!tpu.dma_semaphore, #tpu.memory_space<semaphore_mem>>
        %dma_start3A_78 = arith.constant 0 : i32
        %dma_start3A_79 = tpu.memref_slice %arg5[%mul3A_23, %dma_start3A_78] : memref<10112x128xf32, #tpu.memory_space<hbm>> -> memref<632x128xf32, #tpu.memory_space<hbm>>
        %dma_start3A_80 = arith.constant 0 : i32
        %dma_start3A_81 = tpu.memref_slice %arg11[%mul3A_23, %dma_start3A_80] : memref<10112x128xf32, #tpu.memory_space<vmem_shared>> -> memref<632x128xf32, #tpu.memory_space<vmem_shared>>
        tpu.enqueue_dma source(%dma_start3A_81 : memref<632x128xf32, #tpu.memory_space<vmem_shared>>) target(%dma_start3A_79 : memref<632x128xf32, #tpu.memory_space<hbm>>) target_semaphore(%run_scoped3A : memref<!tpu.dma_semaphore, #tpu.memory_space<semaphore_mem>>)
        %dma_wait3A_82 = arith.constant 0 : i32
        %dma_wait3A_83 = tpu.memref_slice %arg5[%mul3A_23, %dma_wait3A_82] : memref<10112x128xf32, #tpu.memory_space<hbm>> -> memref<632x128xf32, #tpu.memory_space<hbm>>
        %dma_wait3A_84 = arith.constant 0 : i32
        %dma_wait3A_85 = tpu.memref_slice %arg11[%mul3A_23, %dma_wait3A_84] : memref<10112x128xf32, #tpu.memory_space<vmem_shared>> -> memref<632x128xf32, #tpu.memory_space<vmem_shared>>
        tpu.wait_dma2 semaphore(%run_scoped3A : memref<!tpu.dma_semaphore, #tpu.memory_space<semaphore_mem>>) src(%dma_wait3A_85 : memref<632x128xf32, #tpu.memory_space<vmem_shared>>) dst(%dma_wait3A_83 : memref<632x128xf32, #tpu.memory_space<hbm>>)
        tpu.yield
      }) : () -> ()
    } else {
    }
    %eq3A_73 = arith.constant 1 : i32
    %eq3A_74 = arith.cmpi eq, %arg0, %eq3A_73 : i32
    %convert_element_type3A_75 = arith.extui %eq3A_74 : i1 to i32
    %cond3A_76 = arith.constant 0 : i32
    %cond3A_77 = arith.cmpi ne, %convert_element_type3A_75, %cond3A_76 : i32
    scf.if %cond3A_77 {
      "tpu.region"() ({
        %run_scoped3A = tpu.sem_alloc : memref<!tpu.dma_semaphore, #tpu.memory_space<semaphore_mem>>
        %dma_start3A_78 = arith.constant 0 : i32
        %dma_start3A_79 = tpu.memref_slice %arg6[%mul3A_23, %dma_start3A_78] : memref<10112x128xf32, #tpu.memory_space<hbm>> -> memref<632x128xf32, #tpu.memory_space<hbm>>
        %dma_start3A_80 = arith.constant 0 : i32
        %dma_start3A_81 = tpu.memref_slice %arg11[%mul3A_23, %dma_start3A_80] : memref<10112x128xf32, #tpu.memory_space<vmem_shared>> -> memref<632x128xf32, #tpu.memory_space<vmem_shared>>
        tpu.enqueue_dma source(%dma_start3A_81 : memref<632x128xf32, #tpu.memory_space<vmem_shared>>) target(%dma_start3A_79 : memref<632x128xf32, #tpu.memory_space<hbm>>) target_semaphore(%run_scoped3A : memref<!tpu.dma_semaphore, #tpu.memory_space<semaphore_mem>>)
        %dma_wait3A_82 = arith.constant 0 : i32
        %dma_wait3A_83 = tpu.memref_slice %arg6[%mul3A_23, %dma_wait3A_82] : memref<10112x128xf32, #tpu.memory_space<hbm>> -> memref<632x128xf32, #tpu.memory_space<hbm>>
        %dma_wait3A_84 = arith.constant 0 : i32
        %dma_wait3A_85 = tpu.memref_slice %arg11[%mul3A_23, %dma_wait3A_84] : memref<10112x128xf32, #tpu.memory_space<vmem_shared>> -> memref<632x128xf32, #tpu.memory_space<vmem_shared>>
        tpu.wait_dma2 semaphore(%run_scoped3A : memref<!tpu.dma_semaphore, #tpu.memory_space<semaphore_mem>>) src(%dma_wait3A_85 : memref<632x128xf32, #tpu.memory_space<vmem_shared>>) dst(%dma_wait3A_83 : memref<632x128xf32, #tpu.memory_space<hbm>>)
        tpu.yield
      }) : () -> ()
    } else {
    }
    return
  }
}

module attributes {stable_mosaic.version = 14 : i64} {
  func.func @body(%arg0: i32, %arg1: memref<2000x128xf32, #tpu.memory_space<vmem>>, %arg2: memref<2000x128xf32, #tpu.memory_space<vmem>>, %arg3: memref<2000x128xf32, #tpu.memory_space<vmem>>, %arg4: memref<2000x128xf32, #tpu.memory_space<vmem>>) attributes {dimension_semantics = [#tpu.dimension_semantics<arbitrary>], iteration_bounds = array<i64: 5>, scalar_prefetch = 0 : i64, scratch_operands = 0 : i64, tpu.core_type = #tpu.core_type<tc>, window_params = [{transform_indices = @transform_0, window_bounds = array<i64: 2000, 128>}, {transform_indices = @transform_1, window_bounds = array<i64: 2000, 128>}, {transform_indices = @transform_2, window_bounds = array<i64: 2000, 128>}, {transform_indices = @transform_3, window_bounds = array<i64: 2000, 128>}]} {
    %get3A = arith.constant 0 : index
    %get3A_0 = arith.constant 0 : index
    %get3A_1 = vector.load %arg1[%get3A, %get3A_0] : memref<2000x128xf32, #tpu.memory_space<vmem>>, vector<2000x128xf32>
    %get3A_2 = arith.constant 0 : index
    %get3A_3 = arith.constant 0 : index
    %get3A_4 = vector.load %arg2[%get3A_2, %get3A_3] : memref<2000x128xf32, #tpu.memory_space<vmem>>, vector<2000x128xf32>
    %add3A = arith.addf %get3A_1, %get3A_4 : vector<2000x128xf32>
    %get3A_5 = arith.constant 0 : index
    %get3A_6 = arith.constant 0 : index
    %get3A_7 = vector.load %arg3[%get3A_5, %get3A_6] : memref<2000x128xf32, #tpu.memory_space<vmem>>, vector<2000x128xf32>
    %add3A_8 = arith.addf %add3A, %get3A_7 : vector<2000x128xf32>
    %mul3A = arith.constant 1.250000e-01 : f32
    %mul3A_9 = vector.broadcast %mul3A : f32 to vector<2000x128xf32>
    %mul3A_10 = arith.mulf %add3A_8, %mul3A_9 : vector<2000x128xf32>
    %max3A = arith.constant 0.000000e+00 : f32
    %max3A_11 = vector.broadcast %max3A : f32 to vector<2000x128xf32>
    %max3A_12 = arith.maximumf %mul3A_10, %max3A_11 : vector<2000x128xf32>
    %swap3A = arith.constant 0 : index
    %swap3A_13 = arith.constant 0 : index
    %swap3A_14 = vector.load %arg4[%swap3A, %swap3A_13] : memref<2000x128xf32, #tpu.memory_space<vmem>>, vector<2000x128xf32>
    tpu.vector_store %arg4[%swap3A, %swap3A_13], %max3A_12 {strides = array<i32>} : memref<2000x128xf32, #tpu.memory_space<vmem>>, vector<2000x128xf32>,
    return
  }
  func.func @transform_0(%arg0: i32) -> (i32, i32) {
    %c0_i32 = arith.constant 0 : i32
    %c0_i32_0 = arith.constant 0 : i32
    return %arg0, %c0_i32 : i32, i32
  }
  func.func @transform_1(%arg0: i32) -> (i32, i32) {
    %c0_i32 = arith.constant 0 : i32
    %c0_i32_0 = arith.constant 0 : i32
    return %arg0, %c0_i32 : i32, i32
  }
  func.func @transform_2(%arg0: i32) -> (i32, i32) {
    %c0_i32 = arith.constant 0 : i32
    %c0_i32_0 = arith.constant 0 : i32
    return %arg0, %c0_i32 : i32, i32
  }
  func.func @transform_3(%arg0: i32) -> (i32, i32) {
    %c0_i32 = arith.constant 0 : i32
    %c0_i32_0 = arith.constant 0 : i32
    return %arg0, %c0_i32 : i32, i32
  }
}

</mosaic_0001>

<sc_bundles>
// kernel: kernel.4.cloned.1.call-start
scs
__scs_entry_jumppad:
0x0: {  	(pc) =	sbr.rel $0x88, $3  }
0x1: {  	(tag) =	ssettag $0x0;
	lr =	simm.s32 $0x1  }
0x2: {  	[smem:$0x3F9F] =	sst lr;
	_ =	strace $0xD0000000  }
0x3: {  	_ = 	snop  }
0x4: {  	_ = 	snop  }
0x5: {  	_ = 	snop  }
0x6: {  	_ = 	snop  }
0x7: {  	_ = 	snop  }
__scs_overlays_trampoline_lowered:
0x8: {  	[smem:$0x3FAE] =	sst s0  }
0x9: {  	[smem:$0x3FAF] =	sst s1  }
0xa: {  	[smem:$0x3FB0] =	sst s2  }
0xb: {  	[smem:$0x3FB1] =	sst s3  }
0xc: {  	[smem:$0x3FB2] =	sst s4  }
0xd: {  	[smem:$0x3FB3] =	sst s5  }
0xe: {  	[smem:$0x3FB4] =	sst s6  }
0xf: {  	[smem:$0x3FB5] =	sst s7  }
0x10: {  	[smem:$0x3FB6] =	sst s8  }
0x11: {  	[smem:$0x3FB7] =	sst s9;
	s0 =	simm.s32 @!p0 $0x0  }
0x12: {  	s1 =	sld [smem:$0x3F9D];
	s0 =	simm.s32 @p0 $0x1  }
0x13: {  	[smem:$0x3FB8] =	sst s0;
	s0 =	simm.s32 @!p1 $0x0  }
0x14: {  	s2 =	sld [smem:$0x3F9C];
	s0 =	simm.s32 @p1 $0x1  }
0x15: {  	[smem:$0x3FB9] =	sst s0;
	s0 =	simm.s32 @!p2 $0x0  }
0x16: {  	s3 =	sld [smem:$0x3FDB];
	s0 =	simm.s32 @p2 $0x1  }
0x17: {  	s4 =	simm.s32 $0x1BF5;
	[smem:$0x3FBB] =	sst s0  }
0x18: {  	s0 =	sld [smem:$0x3F9E];
	_ =	swait.ge [sflag:s4], $0x0  }
0x19: {  	s7 =	sld [smem:$0x3F9F]  }
0x1a: {  	s8 =	sadd.s32 $0xFFFFE003, lr  }
0x1b: {  	s9 =	sadd.s32 $0xFFFFFEF7, lr;
	s5 =	simm.s32 $0xFFFFFFFF;
	p2 =	slt.u32 s8, $0xFFFFF086  }
0x1c: {  	p1 =	slt.u32 s9, $0xF7A;
	s5 =	simm.s32 @!p2 $0x0  }
0x1d: {  	s5 =	simm.s32 @p1 $0x1;
	p0 =	seq.s32 s7, s2  }
0x1e: {  	s7 =	smul.u32 @!p0 $0xF7A, s2;
	p2 =	seq.s32 @!p0 s5, $0x0  }
0x1f: {  	s9 =	smul.u32 $0xF7A, s1;
	s8 =	simm.s32 @!p0 $0x1BF5;
	p2 =	por !p2, p0  }
0x20: {  	[sflag:s8] =	ssyncset.s32 @!p0 $0xFFFFF086;
	s6 =	sadd.s32 @!p0 s3, s7;
	s7 =	simm.s32 @!p0 $0x108  }
0x21: {  	s3 =	sadd.s32 s3, s9;
	s6 =	sadd.s32 @!p0 $0x88, s6;
	s7 =	simm.s32 @p2 $0x1082  }
0x22: {  	[simem:s7], [sflag:s8] =	dma.local @!p0 [hbm:s6], $0xF7A  }
0x23: {  	s9 =	sor.u32 $0xD0000000, s2;
	s6 =	simm.s32 $0x108;
	_ =	swait.ge @!p0 [sflag:s8], $0x0  }
0x24: {  	s3 =	sadd.s32 $0x88, s3;
	s6 =	simm.s32 @!p1 $0x1082;
	[sflag:s4] =	ssyncset.s32 $0xFFFFF086  }
0x25: {  	[simem:s6], [sflag:s4] =	dma.local [hbm:s3], $0xF7A  }
0x26: {  	[smem:$0x3F9F] =	sst s1;
	(tag) =	ssettag s2;
	_ =	strace s9  }
0x27: {  	s1 =	sld [smem:$0x3FAF]  }
0x28: {  	s2 =	sld [smem:$0x3FB0]  }
0x29: {  	s4 =	sld [smem:$0x3FB2]  }
0x2a: {  	p0 =	seq.s32 s5, $0x0;
	s5 =	sld [smem:$0x3FB3]  }
0x2b: {  	s6 =	sld [smem:$0x3FB4]  }
0x2c: {  	s7 =	sld [smem:$0x3FB5]  }
0x2d: {  	s3 =	simm.s32 $0x108;
	s8 =	sld [smem:$0x3FB6]  }
0x2e: {  	s3 =	simm.s32 @!p0 $0x1082;
	s9 =	sld [smem:$0x3FB7]  }
0x2f: {  	lr =	sadd.s32 s0, s3;
	s0 =	sld [smem:$0x3FAE]  }
0x30: {  	s3 =	sld [smem:$0x3FB1]  }
0x31: {  	[smem:$0x3FBA] =	sst s10  }
0x32: {  	s10 =	sld [smem:$0x3FB8];
	_ =	sdelay $0x3  }
0x33: {  	p0 =	seq.s32 s10, $0x1;
	s10 =	sld [smem:$0x3FBA];
	_ =	sdelay $0x3  }
0x34: {  	[smem:$0x3FBA] =	sst s10  }
0x35: {  	s10 =	sld [smem:$0x3FB9];
	_ =	sdelay $0x3  }
0x36: {  	p1 =	seq.s32 s10, $0x1;
	s10 =	sld [smem:$0x3FBA];
	_ =	sdelay $0x3  }
0x37: {  	[smem:$0x3FBA] =	sst s10  }
0x38: {  	s10 =	sld [smem:$0x3FBB]  }
0x39: {  	_ = 	snop;
	(pc) =	sbr.ind lr, $3  }
0x3a: {  	_ = 	snop  }
0x3b: {  	_ = 	snop  }
0x3c: {  	p2 =	seq.s32 s10, $0x1;
	s10 =	sld [smem:$0x3FBA]  }
0x3d: {  	_ =	shalt  }
0x3e: {  	_ =	shalt  }
0x3f: {  	_ =	shalt  }
0x40: {  	_ =	shalt  }
0x41: {  	_ =	shalt  }
0x42: {  	_ =	shalt  }
0x43: {  	_ =	shalt  }
0x44: {  	_ =	shalt  }
0x45: {  	_ =	shalt  }
0x46: {  	_ =	shalt  }
0x47: {  	_ =	shalt  }
0x48: {  	_ =	shalt  }
0x49: {  	_ =	shalt  }
0x4a: {  	_ =	shalt  }
0x4b: {  	_ =	shalt  }
0x4c: {  	_ =	shalt  }
0x4d: {  	_ =	shalt  }
0x4e: {  	_ =	shalt  }
0x4f: {  	_ =	shalt  }
0x50: {  	_ =	shalt  }
0x51: {  	_ =	shalt  }
0x52: {  	_ =	shalt  }
0x53: {  	_ =	shalt  }
0x54: {  	_ =	shalt  }
0x55: {  	_ =	shalt  }
0x56: {  	_ =	shalt  }
0x57: {  	_ =	shalt  }
0x58: {  	_ =	shalt  }
0x59: {  	_ =	shalt  }
0x5a: {  	_ =	shalt  }
0x5b: {  	_ =	shalt  }
0x5c: {  	_ =	shalt  }
0x5d: {  	_ =	shalt  }
0x5e: {  	_ =	shalt  }
0x5f: {  	_ =	shalt  }
0x60: {  	_ =	shalt  }
0x61: {  	_ =	shalt  }
0x62: {  	_ =	shalt  }
0x63: {  	_ =	shalt  }
0x64: {  	_ =	shalt  }
0x65: {  	_ =	shalt  }
0x66: {  	_ =	shalt  }
0x67: {  	_ =	shalt  }
0x68: {  	_ =	shalt  }
0x69: {  	_ =	shalt  }
0x6a: {  	_ =	shalt  }
0x6b: {  	_ =	shalt  }
0x6c: {  	_ =	shalt  }
0x6d: {  	_ =	shalt  }
0x6e: {  	_ =	shalt  }
0x6f: {  	_ =	shalt  }
0x70: {  	_ =	shalt  }
0x71: {  	_ =	shalt  }
0x72: {  	_ =	shalt  }
0x73: {  	_ =	shalt  }
0x74: {  	_ =	shalt  }
0x75: {  	_ =	shalt  }
0x76: {  	_ =	shalt  }
0x77: {  	_ =	shalt  }
0x78: {  	_ =	shalt  }
0x79: {  	_ =	shalt  }
0x7a: {  	_ =	shalt  }
0x7b: {  	_ =	shalt  }
0x7c: {  	_ =	shalt  }
0x7d: {  	_ =	shalt  }
0x7e: {  	_ =	shalt  }
0x7f: {  	_ =	shalt  }
0x80: {  	_ =	shalt  }
0x81: {  	_ =	shalt  }
0x82: {  	_ =	shalt  }
0x83: {  	_ =	shalt  }
0x84: {  	_ =	shalt  }
0x85: {  	_ =	shalt  }
0x86: {  	_ =	shalt  }
0x87: {  	_ =	shalt  }
.Lfunc_end0:
.L_simem_size_0:
called_computation_lowered:
.L_overlay_start_0:
0x88: {  	s2 =	sld [smem:$0x3FD9]  }
0x89: {  	s3 =	sld [smem:$0x3FFE];
	_ =	sdelay $0x1  }
0x8a: {  	s1 =	srdreg.scid  }
0x8b: {  	s0 =	sand.u32 $0x1, s1  }
0x8c: {  	s17 =	sshll.u32 s0, $0xA;
	s2 =	sadd.s32 s3, s2  }
0x8d: {  	s2 =	sadd.s32 s2, s17  }
0x8e: {  	[smem:$0x3FC6] =	sst s2  }
0x8f: {  	_ = 	snop  }
0x90: {  	s2 =	sld [smem:$0x3FC9]  }
0x91: {  	s18 =	sld [smem:$0x3FD0];
	(tm) =	ssettm $0x1  }
0x92: {  	s4 =	sld [smem:$0x3FFB];
	_ =	sdelay $0x3  }
0x93: {  	_ =	strace s4  }
0x94: {  	s4 =	sld [smem:$0x3FFC];
	_ =	sdelay $0x3  }
0x95: {  	_ =	strace s4  }
0x96: {  	s4 =	sld [smem:$0x3FFD];
	_ =	sdelay $0x3  }
0x97: {  	_ =	strace s4  }
0x98: {  	_ =	strace $0x8FFFFFFF  }
0x99: {  	s19 =	sld [smem:$0x3FDB];
	_ =	sdelay $0x1  }
0x9a: {  	s5 =	simm.s32 $_scs_section_size  }
0x9b: {  	s6 =	simm.s32 $_size__tile_overlayer_lowered;
	s7 =	simm.s32 $_tile_overlayer_lowered  }
0x9c: {  	s22 =	simm.s32 $0x1BFF;
	s21 =	sshll.u32 s7, $0x1;
	s4 =	sadd.s32 s5, s19  }
0x9d: {  	s8 =	simm.s32 $0x0;
	s20 =	sshll.u32 s6, $0x1;
	s6 =	sadd.s32 s21, s4  }
0x9e: {  	[timem:s8], [sflag:s22] =	dma.local [hbm:s6], s20  }
0x9f: {  	_ =	swait.ge [sflag:s22], s20  }
0xa0: {  	s5 =	ssub.s32 $0x0, s20;
	[sflag:s22] =	ssyncset.done $0x0  }
0xa1: {  	[sflag:s22] =	ssyncadd.s32 s5;
	_ =	sdelay $0x1  }
0xa2: {  	s23 =	simm.s32 $0x1B8B  }
0xa3: {  	_ =	swait.ge [sflag:s23], $0x1  }
0xa4: {  	[sflag:s23] =	ssyncset.done $0x0  }
0xa5: {  	s25 =	simm.s32 $0x1B8E;
	s24 =	sld [smem:$0x3FFE];
	[sflag:s23] =	ssyncadd.s32 $0xFFFFFFFF  }
0xa6: {  	s26 =	simm.s32 $execute0_lowered;
	[smem:$0x3FD2] =	sst s25  }
0xa7: {  	s6 =	sshll.u32 s26, $0x1;
	_ =	strace $0x80000046;
	[dreg:$0x1] =	wrdreg $0xFFFFFFFF  }
0xa8: {  	s28 =	simm.s32 $_size_execute0_lowered;
	s4 =	sadd.s32 s4, s6;
	[dreg:$0x0] =	wrdreg $0x0  }
0xa9: {  	s6 =	sshll.u32 s28, $0x1;
	[dreg:$0x2] =	wrdreg s4  }
0xaa: {  	[dreg:$0x3] =	wrdreg s6  }
0xab: {  	[dreg:$0x4] =	wrdreg $0xC0  }
0xac: {  	_ =	task [dreg:s8], $0x5FFFF  }
0xad: {  	[dreg:$0x1] =	wrdreg $0xFFFFFFFF  }
0xae: {  	[dreg:$0x0] =	wrdreg $0x60  }
0xaf: {  	[dreg:$0x2] =	wrdreg s2  }
0xb0: {  	[dreg:$0x3] =	wrdreg s18  }
0xb1: {  	[dreg:$0x4] =	wrdreg s24  }
0xb2: {  	[dreg:$0x5] =	wrdreg $0xA8000  }
0xb3: {  	[dreg:$0x6] =	wrdreg $0x9  }
0xb4: {  	_ =	task.clear_ibuf [dreg:s8], $0x7FFFF;
	_ =	strace $0x90000046  }
0xb5: {  	s29 =	simm.s32 $0x9;
	_ =	strace $0x80000048  }
0xb6: {  	_ =	swait.ge [sflag:s29], $0x1  }
0xb7: {  	[sflag:s29] =	ssyncadd.s32 $0xFFFFFFFF  }
0xb8: {  	_ =	strace $0x90000048  }
0xb9: {  	_ =	sfence  }
0xba: {  	s30 =	sld [smem:$0x0];
	_ =	sdelay $0x2  }
0xbb: {  	s31 =	sshll.u32 s1, $0xD;
	s1 =	sshrl.u32 s1, $0x2  }
0xbc: {  	s3 =	sand.u32 $0x4000, s31;
	s1 =	sadd.s32 s1, s30  }
0xbd: {  	s0 =	sor.u32 s3, s0;
	s1 =	sshll.u32 s1, $0x11  }
0xbe: {  	s0 =	sor.u32 s1, s0  }
0xbf: {  	s0 =	sadd.s32 $0x8F2B, s0  }
0xc0: {  	[sflag:s0] =	ssyncadd.remote.s32 $0x1  }
0xc1: {  	_ =	sfence.sel $0xFFFF  }
0xc2: {  	[dreg:$0x0] =	wrdreg $0xFFFFFFFF;
	(pc) =	sbr.abs _section_cstart, $3  }
0xc3: {  	[dreg:$0x1] =	wrdreg $0xFFFFFFFF  }
0xc4: {  	_ =	task.clear_ibuf [dreg:s8], $0x2FFFF;
	_ =	strace $0x9FFFFFFF  }
0xc5: {  	(tm) =	ssettm $0x7FFFFFFF  }
tec
execute0_lowered:
.L_overlay_start_1:
0x0: {  	(tag) =	ssettag $0x1  }
0x1: {  	s0 =	rddreg [dreg:$0x0]  }
0x2: {  	s5 =	rddreg [dreg:$0x1]  }
0x3: {  	s12 =	rddreg [dreg:$0x2]  }
0x4: {  	s1 =	srdreg.scid;
	s3 =	rddreg [dreg:$0x3]  }
0x5: {  	s4 =	simm.s32 $0x0;
	s14 =	simm.s32 $0x2D600;
	s16 =	simm.s32 $0x3  }
0x6: {  	s17 =	simm.s32 $0x1;
	s18 =	simm.s32 $0x2;
	s19 =	simm.s32 $0x80  }
0x7: {  	s20 =	simm.s32 $0x6800;
	s21 =	simm.s32 $0x2700;
	s22 =	simm.s32 $0x2780  }
0x8: {  	s23 =	simm.s32 $0x0;
	s9 =	sand.u32 $0x1, s1;
	s1 =	stileid.u32  }
0x9: {  	[smem:$0x7FF] =	sst s4;
	s2 =	sshll.u32 s9, $0x4;
	s8 =	smul.u32 $0x4F000, s1  }
0xa: {  	s7 =	ssub.s32 $0x2, s9;
	p0 =	seq.s32 s9, $0x1;
	s15 =	smul.u32 $0x2780, s1  }
0xb: {  	s6 =	sor.u32 s1, s2;
	s2 =	rddreg [dreg:$0x4];
	_ =	strace $0x80000047  }
0xc: {  	s10 =	sshrl.u32 s7, $0x1;
	s14 =	simm.s32 @!p0 $0x5E00;
	s6 =	smul.u32 $0x280, s6  }
0xd: {  	s13 =	ssub.s32 s7, s10;
	s31 =	sshrl.u32 s8, $0x2;
	s14 =	sadd.s32 s14, s12  }
0xe: {  	s7 =	sadd.s32 s31, s3;
	s11 =	sadd.s32 s6, s12;
	s5 =	sadd.s32 s5, s6  }
0xf: {  	s8 =	sadd.s32 $0x4000, s7;
	s9 =	sadd.s32 $0x8000, s7;
	s10 =	sadd.s32 $0xC000, s7  }
0x10: {  	s12 =	smax.u32 s13, $0x1;
	s13 =	sadd.s32 s14, s15;
	s14 =	simm.s32 $0x1400  }
0x11: {  	v0 =	vimm.f32 $0.0e+00;
	s15 =	simm.s32 $0x2800;
	s6 =	sadd.s32 $0xE00, s11;
	s11 =	sadd.s32 $0x10000, s7  }
.LBB2_1:
0x12: {  	[tilespmem:s4], [sflag:$0x1] =	stream.linear.gather [hbm4b:s5+s4], $0x1400, $0x38;
	[tilespmem:$0x1E400] =	vst v63  }
0x13: {  	s24 =	sand.u32 $0xFE00, s4  }
0x14: {  	s25 =	sand.u32 $0x70, s4;
	s26 =	sshrl.u32 s24, $0x2  }
0x15: {  	[tilespmem:s14], [sflag:$0x2] =	stream.linear.gather [hbm4b:s6+s4], $0x1400, $0x38;
	[tilespmem:$0x1E400] =	vst v63  }
0x16: {  	s24 =	simm.s32 $0x40;
	s26 =	sor.u32 s25, s26;
	s25 =	simm.s32 $0x0  }
.LBB2_2:
0x17: {  	p0 =	sne.s32 s24, $0xFFC0  }
0x18: {  	[tilespmem:s26+$0x2800] =	vst v0;
	s25 =	sadd.s32 $0x10, s25;
	s26 =	smov.u32 s24;
	s24 =	sadd.s32 $0x40, s24  }
.Ltmp0:
0x19: {  	(pc) =	sbr.rel @p0 .LBB2_2-.Ltmp0, $4  }
0x1a: {  	_ = 	snop  }
0x1b: {  	s26 =	sand.u32 $0xFE00, s26  }
0x1c: {  	s28 =	sand.u32 $0x70, s25;
	s26 =	sshrl.u32 s26, $0x2  }
0x1d: {  	s26 =	sor.u32 s28, s26  }
0x1e: {  	[tilespmem:s26+$0x2800] =	vst v0  }
0x1f: {  	[spmem:s7] =	stream.linear.scatter [tilespmem:s15], [sflag:$0x3], $0x4000, $0x38;
	[tilespmem:$0x1E400] =	vst v63  }
0x20: {  	_ =	swait.ge [sflag:s16], $0x4000  }
0x21: {  	[sflag:s16] =	ssyncset.done $0x0  }
0x22: {  	[sflag:s16] =	ssyncadd.s32 $0xFFFFC000  }
0x23: {  	[spmem:s8] =	stream.linear.scatter [tilespmem:s15], [sflag:$0x3], $0x4000, $0x38;
	[tilespmem:$0x1E400] =	vst v63  }
0x24: {  	_ =	swait.ge [sflag:s16], $0x4000  }
0x25: {  	[sflag:s16] =	ssyncset.done $0x0  }
0x26: {  	[sflag:s16] =	ssyncadd.s32 $0xFFFFC000  }
0x27: {  	[spmem:s9] =	stream.linear.scatter [tilespmem:s15], [sflag:$0x3], $0x4000, $0x38;
	[tilespmem:$0x1E400] =	vst v63  }
0x28: {  	_ =	swait.ge [sflag:s16], $0x4000  }
0x29: {  	[sflag:s16] =	ssyncset.done $0x0  }
0x2a: {  	[sflag:s16] =	ssyncadd.s32 $0xFFFFC000  }
0x2b: {  	[spmem:s10] =	stream.linear.scatter [tilespmem:s15], [sflag:$0x3], $0x4000, $0x38;
	[tilespmem:$0x1E400] =	vst v63  }
0x2c: {  	_ =	swait.ge [sflag:s16], $0x4000  }
0x2d: {  	[sflag:s16] =	ssyncset.done $0x0  }
0x2e: {  	[sflag:s16] =	ssyncadd.s32 $0xFFFFC000  }
0x2f: {  	[spmem:s11] =	stream.linear.scatter [tilespmem:s15], [sflag:$0x3], $0x3C00, $0x38;
	[tilespmem:$0x1E400] =	vst v63  }
0x30: {  	_ =	swait.ge [sflag:s16], $0x3C00  }
0x31: {  	[sflag:s16] =	ssyncset.done $0x0  }
0x32: {  	[sflag:s16] =	ssyncadd.s32 $0xFFFFC400  }
0x33: {  	_ =	swait.ge [sflag:s17], $0x1400  }
0x34: {  	[sflag:s17] =	ssyncset.done $0x0  }
0x35: {  	[sflag:s17] =	ssyncadd.s32 $0xFFFFEC00  }
0x36: {  	_ =	swait.ge [sflag:s18], $0x1400  }
0x37: {  	[sflag:s18] =	ssyncset.done $0x0  }
0x38: {  	[sflag:s18] =	ssyncadd.s32 $0xFFFFEC00  }
0x39: {  	s24 =	simm.s32 $0x0;
	[bflag:$0x0] =	sbarrier.arrive $0xFFFF  }
0x3a: {  	[tilespmem:s15], [sflag:$0x1] =	stream.indirect.gather [hbm4b:s0+s19], $0x80, s24, s19, $0xb8;
	[tilespmem:$0x1E400] =	vst v63  }
0x3b: {  	_ = 	snop  }
0x3c: {  	[tilespmem:s20], [sflag:$0x2] =	stream.indirect.gather [hbm4b:s0+s19], $0x80, s19, s19, $0xb8;
	[tilespmem:$0x1E400] =	vst v63  }
0x3d: {  	_ =	swait.ge [sflag:s17], $0x4000  }
0x3e: {  	[sflag:s17] =	ssyncset.done $0x0  }
0x3f: {  	s29 =	simm.s32 $0x1400;
	[sflag:s17] =	ssyncadd.s32 $0xFFFFC000  }
0x40: {  	[spmem:s3] =	stream.indirect.scatter.add.f32 [tilespmem:s15], [sflag:$0x3], $0x80, s29, s19, $0xb8;
	[tilespmem:$0x1E400] =	vst v63  }
0x41: {  	_ =	swait.ge [sflag:s16], $0x4000  }
0x42: {  	[sflag:s16] =	ssyncset.done $0x0  }
0x43: {  	s30 =	simm.s32 $0x100;
	[sflag:s16] =	ssyncadd.s32 $0xFFFFC000  }
0x44: {  	[tilespmem:s15], [sflag:$0x1] =	stream.indirect.gather [hbm4b:s0+s19], $0x80, s30, s19, $0xb8;
	[tilespmem:$0x1E400] =	vst v63  }
0x45: {  	_ =	swait.ge [sflag:s18], $0x4000  }
0x46: {  	[sflag:s18] =	ssyncset.done $0x0  }
0x47: {  	s31 =	simm.s32 $0x1480;
	[sflag:s18] =	ssyncadd.s32 $0xFFFFC000  }
0x48: {  	[spmem:s3] =	stream.indirect.scatter.add.f32 [tilespmem:s20], [sflag:$0x3], $0x80, s31, s19, $0xb8;
	[tilespmem:$0x1E400] =	vst v63  }
0x49: {  	_ =	swait.ge [sflag:s16], $0x4000  }
0x4a: {  	[sflag:s16] =	ssyncset.done $0x0  }
0x4b: {  	s25 =	simm.s32 $0x180;
	s24 =	simm.s32 $0x400;
	[sflag:s16] =	ssyncadd.s32 $0xFFFFC000  }
.LBB2_4:
0x4c: {  	[tilespmem:s20], [sflag:$0x2] =	stream.indirect.gather [hbm4b:s0+s19], $0x80, s25, s19, $0xb8;
	[tilespmem:$0x1E400] =	vst v63  }
0x4d: {  	s25 =	smov.u32 s24  }
0x4e: {  	p0 =	sne.s32 s24, $0x4800;
	s24 =	sadd.s32 $0x400, s24;
	_ =	swait.ge [sflag:s17], $0x4000  }
0x4f: {  	s25 =	sshra.s32 s25, $0x2;
	[sflag:s17] =	ssyncset.done $0x0  }
0x50: {  	s26 =	sadd.s32 $0x1400, s25;
	[sflag:s17] =	ssyncadd.s32 $0xFFFFC000  }
0x51: {  	[spmem:s3] =	stream.indirect.scatter.add.f32 [tilespmem:s15], [sflag:$0x3], $0x80, s26, s19, $0xb8;
	[tilespmem:$0x1E400] =	vst v63  }
0x52: {  	_ =	swait.ge [sflag:s16], $0x4000  }
0x53: {  	[sflag:s16] =	ssyncset.done $0x0  }
0x54: {  	s26 =	sadd.s32 $0x100, s25;
	[sflag:s16] =	ssyncadd.s32 $0xFFFFC000  }
0x55: {  	[tilespmem:s15], [sflag:$0x1] =	stream.indirect.gather [hbm4b:s0+s19], $0x80, s26, s19, $0xb8;
	[tilespmem:$0x1E400] =	vst v63  }
0x56: {  	_ =	swait.ge [sflag:s18], $0x4000  }
0x57: {  	[sflag:s18] =	ssyncset.done $0x0  }
.Ltmp1:
0x58: {  	s26 =	sadd.s32 $0x1480, s25;
	[sflag:s18] =	ssyncadd.s32 $0xFFFFC000;
	(pc) =	sbr.rel @p0 .LBB2_4-.Ltmp1, $4  }
0x59: {  	[spmem:s3] =	stream.indirect.scatter.add.f32 [tilespmem:s20], [sflag:$0x3], $0x80, s26, s19, $0xb8;
	[tilespmem:$0x1E400] =	vst v63  }
0x5a: {  	_ =	swait.ge [sflag:s16], $0x4000  }
0x5b: {  	[sflag:s16] =	ssyncset.done $0x0  }
0x5c: {  	s25 =	sadd.s32 $0x180, s25;
	[sflag:s16] =	ssyncadd.s32 $0xFFFFC000  }
0x5d: {  	[tilespmem:s20], [sflag:$0x2] =	stream.indirect.gather [hbm4b:s0+s19], $0x80, s25, s19, $0xb8;
	[tilespmem:$0x1E400] =	vst v63  }
0x5e: {  	_ =	swait.ge [sflag:s17], $0x4000  }
0x5f: {  	[sflag:s17] =	ssyncset.done $0x0  }
0x60: {  	[sflag:s17] =	ssyncadd.s32 $0xFFFFC000  }
0x61: {  	[spmem:s3] =	stream.indirect.scatter.add.f32 [tilespmem:s15], [sflag:$0x3], $0x80, s21, s19, $0xb8;
	[tilespmem:$0x1E400] =	vst v63  }
0x62: {  	_ =	swait.ge [sflag:s16], $0x4000  }
0x63: {  	[sflag:s16] =	ssyncset.done $0x0  }
0x64: {  	[sflag:s16] =	ssyncadd.s32 $0xFFFFC000  }
0x65: {  	_ =	swait.ge [sflag:s18], $0x4000  }
0x66: {  	[sflag:s18] =	ssyncset.done $0x0  }
0x67: {  	[sflag:s18] =	ssyncadd.s32 $0xFFFFC000  }
0x68: {  	[spmem:s3] =	stream.indirect.scatter.add.f32 [tilespmem:s20], [sflag:$0x3], $0x80, s22, s19, $0xb8;
	[tilespmem:$0x1E400] =	vst v63  }
0x69: {  	_ =	swait.ge [sflag:s16], $0x4000  }
0x6a: {  	s24 =	sshll.u32 s1, $0x6;
	s23 =	sadd.s32 $0x1, s23;
	[sflag:s16] =	ssyncset.done $0x0  }
0x6b: {  	s31 =	sshrl.u32 s7, $0x3;
	p0 =	sne.s32 s23, s12;
	[sflag:s16] =	ssyncadd.s32 $0xFFFFC000  }
.Ltmp2:
0x6c: {  	s24 =	sor.u32 $0x1C03, s24;
	[bflag:$0x0] =	sbarrier.arrive $0xFFFF;
	(pc) =	sbr.rel @p0 .LBB2_1-.Ltmp2, $4  }
0x6d: {  	[hbm:s13], [sflag:s24] =	dma.local [spmem:s31], $0x2780  }
0x6e: {  	_ =	swait.ge [sflag:s16], $0x2780  }
0x6f: {  	[sflag:s16] =	ssyncset.done $0x0  }
0x70: {  	[sflag:s16] =	ssyncadd.s32 $0xFFFFD880  }
0x71: {  	_ =	sfence.sel $0x180000  }
0x72: {  	[bflag:$0x0] =	sbarrier.arrive $0xFFFF  }
0x73: {  	p0 =	sne.s32 s1, $0x0;
	_ =	strace $0x90000047  }
0x74: {  	s0 =	sadd.s32 @!p0 $0x100000, s2;
	[bflag:$0x2] =	sbarrier.arrive $0xFFFF  }
0x75: {  	[sflag:s0] =	ssyncadd.tile.s32 @!p0 $0x1;
	_ =	shalt  }
.Lfunc_end2:
_tile_overlayer_lowered:
.L_overlay_start_2:
0x76: {  	(tag) =	ssettag $0x2  }
0x77: {  	s0 =	rddreg [dreg:$0x0];
	s2 =	stileid.u32  }
0x78: {  	s1 =	rddreg [dreg:$0x1];
	p0 =	sne.s32 s2, $0x0  }
0x79: {  	s3 =	rddreg [dreg:$0x2];
	[bflag:$0x3] =	sbarrier.arrive $0xFFFF;
	s2 =	simm.s32 @!p0 $0x1C03  }
0x7a: {  	[timem:s3], [sflag:s2] =	dma.local @!p0 [hbm:s0], s1  }
0x7b: {  	s0 =	simm.s32 @!p0 $0x3  }
0x7c: {  	_ =	swait.ge @!p0 [sflag:s0], s1  }
0x7d: {  	s1 =	ssub.s32 @!p0 $0x0, s1;
	[sflag:s0] =	ssyncset.done @!p0 $0x0  }
0x7e: {  	[sflag:s0] =	ssyncadd.s32 @!p0 s1  }
0x7f: {  	[bflag:$0x3] =	sbarrier.arrive $0xFFFF  }
0x80: {  	_ =	shalt  }

</sc_bundles>
